<compile_context>
chip_gen: v7x
topology: tpu7x:2x2x1
jax: 0.10.2.dev20260603
libtpu: 0.0.44.dev20260713+nightly
codegen_flags: <defaults>
</compile_context>

<pallas_src>
import functools

import jax
import jax.numpy as jnp
from jax.experimental import pallas as pl
from jax.experimental.pallas import tpu as pltpu

_EPS = 1e-9
_MIN_EXPERT_CAPACITY = 4


def _routing_kernel(x_ref, w_ref, tri_ref, meta_ref, counts_ref, loss_ref,
                    *, cap, loss_scale):
    E = w_ref.shape[1]
    T = x_ref.shape[1]

    x = x_ref[0]
    logits = jnp.dot(x, w_ref[...], preferred_element_type=jnp.float32)
    m = jnp.max(logits, axis=1, keepdims=True)
    ex = jnp.exp(logits - m)
    probs = ex / jnp.sum(ex, axis=1, keepdims=True)

    iota_e = jax.lax.broadcasted_iota(jnp.int32, (T, E), 1)
    g1 = jnp.max(probs, axis=1, keepdims=True)
    idx1 = jnp.min(jnp.where(probs == g1, iota_e, E), axis=1, keepdims=True)
    mask1 = (iota_e == idx1).astype(jnp.float32)

    probs2 = probs * (1.0 - mask1)
    g2 = jnp.max(probs2, axis=1, keepdims=True)
    idx2 = jnp.min(jnp.where(probs2 == g2, iota_e, E), axis=1, keepdims=True)
    mask2 = (iota_e == idx2).astype(jnp.float32)

    denom = g1 + g2 + _EPS
    g1n = g1 / denom
    g2n = g2 / denom

    tri = tri_ref[...]
    cum1 = jnp.dot(tri, mask1.astype(jnp.bfloat16),
                   preferred_element_type=jnp.float32)
    cum2 = jnp.dot(tri, mask2.astype(jnp.bfloat16),
                   preferred_element_type=jnp.float32)
    pos1 = jnp.sum(cum1 * mask1, axis=1, keepdims=True)
    cum2t = jnp.sum(cum2 * mask2, axis=1, keepdims=True)
    keep1 = (pos1 < float(cap)).astype(jnp.float32)
    g1f = g1n * keep1

    feat = jnp.concatenate(
        [idx1.astype(jnp.float32), pos1, g1f,
         idx2.astype(jnp.float32), cum2t, g2n,
         jnp.zeros((T, 2), jnp.float32)], axis=1)
    meta_ref[0, 0] = feat

    total1 = jnp.sum(mask1, axis=0, keepdims=True)
    psum = jnp.sum(probs, axis=0, keepdims=True)
    counts_ref[0] = total1
    loss_ref[0, 0, 0] = jnp.sum(total1 * psum) * loss_scale


def _materialize_kernel(meta_ref, counts_ref, comb_ref, *, cap):
    E = counts_ref.shape[2]
    feat = meta_ref[0, 0]
    T = feat.shape[0]
    idx1 = feat[:, 0:1]
    pos1 = feat[:, 1:2]
    g1f = feat[:, 2:3]
    idx2 = feat[:, 3:4]
    cum2t = feat[:, 4:5]
    g2n = feat[:, 5:6]

    m1c = jnp.minimum(counts_ref[0], float(cap))
    iota_e = jax.lax.broadcasted_iota(jnp.int32, (T, E), 1).astype(jnp.float32)
    oh_e2 = (iota_e == idx2).astype(jnp.float32)
    pos2 = cum2t + jnp.sum(oh_e2 * m1c, axis=1, keepdims=True)
    keep2 = (pos2 < float(cap)).astype(jnp.float32)
    g2f = g2n * keep2

    p1 = idx1 * float(cap) + pos1
    p2 = idx2 * float(cap) + pos2
    iota = jax.lax.broadcasted_iota(
        jnp.int32, (T, E * cap), 1).astype(jnp.float32)
    zero = jnp.zeros((), jnp.float32)
    comb = (jnp.where(iota == p1, g1f, zero)
            + jnp.where(iota == p2, g2f, zero))
    comb_ref[0] = comb


@jax.jit
def kernel(x, w_gating):
    B, N, D = x.shape
    E = w_gating.shape[1]
    cap = int((N * 1.25) / E)
    cap = max(min(N, cap), _MIN_EXPERT_CAPACITY)

    rr = jax.lax.broadcasted_iota(jnp.int32, (N, N), 0)
    cc = jax.lax.broadcasted_iota(jnp.int32, (N, N), 1)
    tri = (cc < rr).astype(jnp.bfloat16)

    meta, counts, loss = pl.pallas_call(
        functools.partial(_routing_kernel, cap=cap,
                          loss_scale=float(E) / float(B) / float(N) / float(N)),
        grid=(B,),
        in_specs=[
            pl.BlockSpec((1, N, D), lambda b: (b, 0, 0)),
            pl.BlockSpec((D, E), lambda b: (0, 0)),
            pl.BlockSpec((N, N), lambda b: (0, 0)),
        ],
        out_specs=[
            pl.BlockSpec((1, 1, N, 8), lambda b: (b, 0, 0, 0)),
            pl.BlockSpec((1, 1, E), lambda b: (b, 0, 0)),
            pl.BlockSpec((1, 1, 1), lambda b: (b, 0, 0),
                         memory_space=pltpu.SMEM),
        ],
        out_shape=[
            jax.ShapeDtypeStruct((B, 1, N, 8), jnp.float32),
            jax.ShapeDtypeStruct((B, 1, E), jnp.float32),
            jax.ShapeDtypeStruct((B, 1, 1), jnp.float32),
        ],
        compiler_params=pltpu.CompilerParams(
            dimension_semantics=("arbitrary",)),
    )(x, w_gating, tri)

    T = 512
    NB = N // T
    combine = pl.pallas_call(
        functools.partial(_materialize_kernel, cap=cap),
        grid=(B, NB),
        in_specs=[
            pl.BlockSpec((1, 1, T, 8), lambda b, nb: (b, 0, nb, 0)),
            pl.BlockSpec((1, 1, E), lambda b, nb: (b, 0, 0)),
        ],
        out_specs=pl.BlockSpec((1, T, E * cap), lambda b, nb: (b, nb, 0)),
        out_shape=jax.ShapeDtypeStruct((B, N, E * cap), jnp.float32),
        compiler_params=pltpu.CompilerParams(
            dimension_semantics=("parallel", "parallel")),
    )(meta, counts)

    dispatch = (combine != 0.0).astype(jnp.float32).reshape(B, N, E, cap)
    combine = combine.reshape(B, N, E, cap)
    return dispatch, combine, jnp.sum(loss)

# --- scband reference (transcript-rebuilt; emitter-appended) ---
"""Pipeline reference for scband-top-kgate-20383914787047 (READ-ONLY COPY).

The authoritative reference and input builder live on the scoring server;
editing this copy changes nothing except your own understanding.
"""

import jax, jax.numpy as jnp
import numpy as np

MIN_EXPERT_CAPACITY = 4


def cumsum_exclusive(t, axis=-2):
    return jnp.cumsum(t, axis=axis) - t


def setup_inputs(seed: int = 0):
    key = jax.random.key(seed)
    k1, k2 = jax.random.split(key)
    x = jax.random.normal(k1, (4, 2048, 1024), dtype=jnp.float32)
    w_gating = jax.random.normal(k2, (1024, 16), dtype=jnp.float32)
    return {"x": x, "w_gating": w_gating}


def reference(x, w_gating):
    # Faithful reconstruction of standard Top-2 gating (lucidrains mixture-of-experts
    # Top2Gating, from which this TopKGate's __init__ is taken). second_policy='all'.
    eps = 1e-9
    num_gates = 16
    capacity_factor = 1.25
    b, group_size, dim = x.shape

    raw_gates = jnp.einsum('bnd,de->bne', x, w_gating)
    raw_gates = jax.nn.softmax(raw_gates, axis=-1)

    # top-1 expert per token
    index_1 = jnp.argmax(raw_gates, axis=-1)
    gate_1 = jnp.max(raw_gates, axis=-1)
    mask_1 = jax.nn.one_hot(index_1, num_gates, dtype=jnp.float32)
    density_1_proxy = raw_gates

    gates_without_top_1 = raw_gates * (1. - mask_1)
    index_2 = jnp.argmax(gates_without_top_1, axis=-1)
    gate_2 = jnp.max(gates_without_top_1, axis=-1)
    mask_2 = jax.nn.one_hot(index_2, num_gates, dtype=jnp.float32)

    # renormalize top-2 gate scores
    denom = gate_1 + gate_2 + eps
    gate_1 = gate_1 / denom
    gate_2 = gate_2 / denom

    # load balancing loss
    density_1 = jnp.mean(mask_1, axis=-2)
    density_1_proxy = jnp.mean(density_1_proxy, axis=-2)
    loss = jnp.mean(density_1_proxy * density_1) * float(num_gates ** 2)

    # second_policy == 'all': keep mask_2 unchanged

    expert_capacity = min(group_size, int((group_size * capacity_factor) / num_gates))
    expert_capacity = max(expert_capacity, MIN_EXPERT_CAPACITY)
    expert_capacity_f = float(expert_capacity)

    # assignment positions within each expert
    position_in_expert_1 = cumsum_exclusive(mask_1, axis=-2) * mask_1
    mask_1 = mask_1 * (position_in_expert_1 < expert_capacity_f).astype(jnp.float32)
    mask_1_count = jnp.sum(mask_1, axis=-2, keepdims=True)
    mask_1_flat = jnp.sum(mask_1, axis=-1)
    position_in_expert_1 = jnp.sum(position_in_expert_1, axis=-1)
    gate_1 = gate_1 * mask_1_flat

    position_in_expert_2 = cumsum_exclusive(mask_2, axis=-2) + mask_1_count
    position_in_expert_2 = position_in_expert_2 * mask_2
    mask_2 = mask_2 * (position_in_expert_2 < expert_capacity_f).astype(jnp.float32)
    mask_2_flat = jnp.sum(mask_2, axis=-1)
    position_in_expert_2 = jnp.sum(position_in_expert_2, axis=-1)
    gate_2 = gate_2 * mask_2_flat

    combine_tensor = (
        gate_1[..., None, None]
        * mask_1_flat[..., None, None]
        * jax.nn.one_hot(index_1, num_gates, dtype=jnp.float32)[..., None]
        * jax.nn.one_hot(position_in_expert_1.astype(jnp.int32), expert_capacity, dtype=jnp.float32)[..., None, :]
        + gate_2[..., None, None]
        * mask_2_flat[..., None, None]
        * jax.nn.one_hot(index_2, num_gates, dtype=jnp.float32)[..., None]
        * jax.nn.one_hot(position_in_expert_2.astype(jnp.int32), expert_capacity, dtype=jnp.float32)[..., None, :]
    )

    dispatch_tensor = (combine_tensor != 0).astype(combine_tensor.dtype)
    return dispatch_tensor, combine_tensor, loss

if __name__ == "__main__":
    import jax
    _d = setup_inputs()
    print(jax.jit(kernel)(*tuple(_d.values())))

</pallas_src>

<mosaic_0001>
module attributes {stable_mosaic.version = 14 : i64} {
  func.func @_routing_kernel(%arg0: i32, %arg1: memref<1x2048x1024xf32, #tpu.memory_space<vmem>>, %arg2: memref<1024x16xf32, #tpu.memory_space<vmem>>, %arg3: memref<2048x2048xbf16, #tpu.memory_space<vmem>>, %arg4: memref<1x1x2048x8xf32, #tpu.memory_space<vmem>>, %arg5: memref<1x1x16xf32, #tpu.memory_space<vmem>>, %arg6: memref<1x1x1xf32, #tpu.memory_space<smem>>) attributes {dimension_semantics = [#tpu.dimension_semantics<arbitrary>], iteration_bounds = array<i64: 4>, scalar_prefetch = 0 : i64, scratch_operands = 0 : i64, tpu.core_type = #tpu.core_type<tc>, window_params = [{transform_indices = @transform_0, window_bounds = array<i64: 1, 2048, 1024>}, {pipeline_mode = #tpu.pipeline_mode<synchronous>, transform_indices = @transform_1, window_bounds = array<i64: 1024, 16>}, {pipeline_mode = #tpu.pipeline_mode<synchronous>, transform_indices = @transform_2, window_bounds = array<i64: 2048, 2048>}, {transform_indices = @transform_3, window_bounds = array<i64: 1, 1, 2048, 8>}, {transform_indices = @transform_4, window_bounds = array<i64: 1, 1, 16>}, {transform_indices = @transform_5, window_bounds = array<i64: 1, 1, 1>}]} {
    %get3A = arith.constant 0 : index
    %get3A_0 = arith.constant 0 : index
    %get3A_1 = arith.constant 0 : index
    %get3A_2 = vector.load %arg1[%get3A, %get3A_0, %get3A_1] : memref<1x2048x1024xf32, #tpu.memory_space<vmem>>, vector<1x2048x1024xf32>
    %get3A_3 = vector.shape_cast %get3A_2 : vector<1x2048x1024xf32> to vector<2048x1024xf32>
    %get3A_4 = arith.constant 0 : index
    %get3A_5 = arith.constant 0 : index
    %get3A_6 = vector.load %arg2[%get3A_4, %get3A_5] : memref<1024x16xf32, #tpu.memory_space<vmem>>, vector<1024x16xf32>
    %dot_general3A = arith.constant dense<0.000000e+00> : vector<2048x16xf32>
    %dot_general3A_7 = tpu.matmul %get3A_3, %get3A_6, %dot_general3A {dimension_numbers = #tpu.dot_dimension_numbers<[1], [0], [0], [1], [0, 0, 1, 1], [], []>, transpose_lhs_hint = false} : vector<2048x1024xf32>, vector<1024x16xf32>, vector<2048x16xf32> -> vector<2048x16xf32>
    %reduce_max3A = arith.constant dense<0xFF800000> : vector<2048xf32>
    %reduce_max3A_8 = vector.multi_reduction <maximumf>, %dot_general3A_7, %reduce_max3A [1] : vector<2048x16xf32> to vector<2048xf32>
    %broadcast_in_dim3A = vector.shape_cast %reduce_max3A_8 : vector<2048xf32> to vector<2048x1xf32>
    %sub3A = vector.broadcast %broadcast_in_dim3A : vector<2048x1xf32> to vector<2048x16xf32>
    %sub3A_9 = arith.subf %dot_general3A_7, %sub3A : vector<2048x16xf32>
    %exp3A = math.exp %sub3A_9 : vector<2048x16xf32>
    %reduce_sum3A = arith.constant dense<0.000000e+00> : vector<2048xf32>
    %reduce_sum3A_10 = vector.multi_reduction <add>, %exp3A, %reduce_sum3A [1] : vector<2048x16xf32> to vector<2048xf32>
    %broadcast_in_dim3A_11 = vector.shape_cast %reduce_sum3A_10 : vector<2048xf32> to vector<2048x1xf32>
    %div3A = vector.broadcast %broadcast_in_dim3A_11 : vector<2048x1xf32> to vector<2048x16xf32>
    %div3A_12 = arith.divf %exp3A, %div3A : vector<2048x16xf32>
    %iota3A = tpu.iota {dimensions = array<i32: 1>} : vector<2048x16xi32>
    %reduce_max3A_13 = arith.constant dense<0xFF800000> : vector<2048xf32>
    %reduce_max3A_14 = vector.multi_reduction <maximumf>, %div3A_12, %reduce_max3A_13 [1] : vector<2048x16xf32> to vector<2048xf32>
    %broadcast_in_dim3A_15 = vector.shape_cast %reduce_max3A_14 : vector<2048xf32> to vector<2048x1xf32>
    %eq3A = vector.broadcast %broadcast_in_dim3A_15 : vector<2048x1xf32> to vector<2048x16xf32>
    %eq3A_16 = arith.cmpf oeq, %div3A_12, %eq3A : vector<2048x16xf32>
    %jit3A = arith.constant 16 : i32
    %broadcast_in_dim3A_17 = vector.broadcast %jit3A : i32 to vector<2048x16xi32>
    %select_n3A = arith.select %eq3A_16, %iota3A, %broadcast_in_dim3A_17 : vector<2048x16xi1>, vector<2048x16xi32>
    %reduce_min3A = arith.constant dense<2147483647> : vector<2048xi32>
    %reduce_min3A_18 = vector.multi_reduction <minsi>, %select_n3A, %reduce_min3A [1] : vector<2048x16xi32> to vector<2048xi32>
    %broadcast_in_dim3A_19 = vector.shape_cast %reduce_min3A_18 : vector<2048xi32> to vector<2048x1xi32>
    %eq3A_20 = vector.broadcast %broadcast_in_dim3A_19 : vector<2048x1xi32> to vector<2048x16xi32>
    %eq3A_21 = arith.cmpi eq, %iota3A, %eq3A_20 : vector<2048x16xi32>
    %convert_element_type3A = arith.extui %eq3A_21 : vector<2048x16xi1> to vector<2048x16xi32>
    %convert_element_type3A_22 = arith.sitofp %convert_element_type3A : vector<2048x16xi32> to vector<2048x16xf32>
    %sub3A_23 = arith.constant 1.000000e+00 : f32
    %sub3A_24 = vector.broadcast %sub3A_23 : f32 to vector<2048x16xf32>
    %sub3A_25 = arith.subf %sub3A_24, %convert_element_type3A_22 : vector<2048x16xf32>
    %mul3A = arith.mulf %div3A_12, %sub3A_25 : vector<2048x16xf32>
    %reduce_max3A_26 = arith.constant dense<0xFF800000> : vector<2048xf32>
    %reduce_max3A_27 = vector.multi_reduction <maximumf>, %mul3A, %reduce_max3A_26 [1] : vector<2048x16xf32> to vector<2048xf32>
    %broadcast_in_dim3A_28 = vector.shape_cast %reduce_max3A_27 : vector<2048xf32> to vector<2048x1xf32>
    %eq3A_29 = vector.broadcast %broadcast_in_dim3A_28 : vector<2048x1xf32> to vector<2048x16xf32>
    %eq3A_30 = arith.cmpf oeq, %mul3A, %eq3A_29 : vector<2048x16xf32>
    %jit3A_31 = arith.constant 16 : i32
    %broadcast_in_dim3A_32 = vector.broadcast %jit3A_31 : i32 to vector<2048x16xi32>
    %select_n3A_33 = arith.select %eq3A_30, %iota3A, %broadcast_in_dim3A_32 : vector<2048x16xi1>, vector<2048x16xi32>
    %reduce_min3A_34 = arith.constant dense<2147483647> : vector<2048xi32>
    %reduce_min3A_35 = vector.multi_reduction <minsi>, %select_n3A_33, %reduce_min3A_34 [1] : vector<2048x16xi32> to vector<2048xi32>
    %broadcast_in_dim3A_36 = vector.shape_cast %reduce_min3A_35 : vector<2048xi32> to vector<2048x1xi32>
    %eq3A_37 = vector.broadcast %broadcast_in_dim3A_36 : vector<2048x1xi32> to vector<2048x16xi32>
    %eq3A_38 = arith.cmpi eq, %iota3A, %eq3A_37 : vector<2048x16xi32>
    %convert_element_type3A_39 = arith.extui %eq3A_38 : vector<2048x16xi1> to vector<2048x16xi32>
    %convert_element_type3A_40 = arith.sitofp %convert_element_type3A_39 : vector<2048x16xi32> to vector<2048x16xf32>
    %add3A = arith.addf %broadcast_in_dim3A_15, %broadcast_in_dim3A_28 : vector<2048x1xf32>
    %add3A_41 = arith.constant 9.99999971E-10 : f32
    %add3A_42 = vector.broadcast %add3A_41 : f32 to vector<2048x1xf32>
    %add3A_43 = arith.addf %add3A, %add3A_42 : vector<2048x1xf32>
    %div3A_44 = arith.divf %broadcast_in_dim3A_15, %add3A_43 : vector<2048x1xf32>
    %div3A_45 = arith.divf %broadcast_in_dim3A_28, %add3A_43 : vector<2048x1xf32>
    %get3A_46 = arith.constant 0 : index
    %get3A_47 = arith.constant 0 : index
    %get3A_48 = vector.load %arg3[%get3A_46, %get3A_47] : memref<2048x2048xbf16, #tpu.memory_space<vmem>>, vector<2048x2048xbf16>
    %convert_element_type3A_49 = arith.truncf %convert_element_type3A_22 : vector<2048x16xf32> to vector<2048x16xbf16>
    %dot_general3A_50 = arith.constant dense<0.000000e+00> : vector<2048x16xf32>
    %dot_general3A_51 = tpu.matmul %get3A_48, %convert_element_type3A_49, %dot_general3A_50 {dimension_numbers = #tpu.dot_dimension_numbers<[1], [0], [0], [1], [0, 0, 1, 1], [], []>, transpose_lhs_hint = false} : vector<2048x2048xbf16>, vector<2048x16xbf16>, vector<2048x16xf32> -> vector<2048x16xf32>
    %convert_element_type3A_52 = arith.truncf %convert_element_type3A_40 : vector<2048x16xf32> to vector<2048x16xbf16>
    %dot_general3A_53 = arith.constant dense<0.000000e+00> : vector<2048x16xf32>
    %dot_general3A_54 = tpu.matmul %get3A_48, %convert_element_type3A_52, %dot_general3A_53 {dimension_numbers = #tpu.dot_dimension_numbers<[1], [0], [0], [1], [0, 0, 1, 1], [], []>, transpose_lhs_hint = false} : vector<2048x2048xbf16>, vector<2048x16xbf16>, vector<2048x16xf32> -> vector<2048x16xf32>
    %mul3A_55 = arith.mulf %dot_general3A_51, %convert_element_type3A_22 : vector<2048x16xf32>
    %reduce_sum3A_56 = arith.constant dense<0.000000e+00> : vector<2048xf32>
    %reduce_sum3A_57 = vector.multi_reduction <add>, %mul3A_55, %reduce_sum3A_56 [1] : vector<2048x16xf32> to vector<2048xf32>
    %broadcast_in_dim3A_58 = vector.shape_cast %reduce_sum3A_57 : vector<2048xf32> to vector<2048x1xf32>
    %mul3A_59 = arith.mulf %dot_general3A_54, %convert_element_type3A_40 : vector<2048x16xf32>
    %reduce_sum3A_60 = arith.constant dense<0.000000e+00> : vector<2048xf32>
    %reduce_sum3A_61 = vector.multi_reduction <add>, %mul3A_59, %reduce_sum3A_60 [1] : vector<2048x16xf32> to vector<2048xf32>
    %broadcast_in_dim3A_62 = vector.shape_cast %reduce_sum3A_61 : vector<2048xf32> to vector<2048x1xf32>
    %lt3A = arith.constant 1.600000e+02 : f32
    %lt3A_63 = vector.broadcast %lt3A : f32 to vector<2048x1xf32>
    %lt3A_64 = arith.cmpf olt, %broadcast_in_dim3A_58, %lt3A_63 : vector<2048x1xf32>
    %convert_element_type3A_65 = arith.extui %lt3A_64 : vector<2048x1xi1> to vector<2048x1xi32>
    %convert_element_type3A_66 = arith.sitofp %convert_element_type3A_65 : vector<2048x1xi32> to vector<2048x1xf32>
    %mul3A_67 = arith.mulf %div3A_44, %convert_element_type3A_66 : vector<2048x1xf32>
    %convert_element_type3A_68 = arith.sitofp %broadcast_in_dim3A_19 : vector<2048x1xi32> to vector<2048x1xf32>
    %convert_element_type3A_69 = arith.sitofp %broadcast_in_dim3A_36 : vector<2048x1xi32> to vector<2048x1xf32>
    %broadcast_in_dim3A_70 = arith.constant 0.000000e+00 : f32
    %broadcast_in_dim3A_71 = vector.broadcast %broadcast_in_dim3A_70 : f32 to vector<2048x2xf32>
    %concatenate3A = tpu.concatenate %convert_element_type3A_68, %broadcast_in_dim3A_58, %mul3A_67, %convert_element_type3A_69, %broadcast_in_dim3A_62, %div3A_45, %broadcast_in_dim3A_71 in 1 : vector<2048x1xf32>, vector<2048x1xf32>, vector<2048x1xf32>, vector<2048x1xf32>, vector<2048x1xf32>, vector<2048x1xf32>, vector<2048x2xf32> -> vector<2048x8xf32>
    %swap3A = arith.constant 0 : index
    %swap3A_72 = arith.constant 0 : index
    %swap3A_73 = arith.constant 0 : index
    %swap3A_74 = arith.constant 0 : index
    %swap3A_75 = vector.load %arg4[%swap3A, %swap3A_72, %swap3A_73, %swap3A_74] : memref<1x1x2048x8xf32, #tpu.memory_space<vmem>>, vector<1x1x2048x8xf32>
    %swap3A_76 = vector.shape_cast %swap3A_75 : vector<1x1x2048x8xf32> to vector<2048x8xf32>
    %swap3A_77 = vector.shape_cast %concatenate3A : vector<2048x8xf32> to vector<1x1x2048x8xf32>
    tpu.vector_store %arg4[%swap3A, %swap3A_72, %swap3A_73, %swap3A_74], %swap3A_77 {strides = array<i32>} : memref<1x1x2048x8xf32, #tpu.memory_space<vmem>>, vector<1x1x2048x8xf32>,
    %reduce_sum3A_78 = arith.constant dense<0.000000e+00> : vector<16xf32>
    %reduce_sum3A_79 = vector.multi_reduction <add>, %convert_element_type3A_22, %reduce_sum3A_78 [0] : vector<2048x16xf32> to vector<16xf32>
    %broadcast_in_dim3A_80 = vector.shape_cast %reduce_sum3A_79 : vector<16xf32> to vector<1x16xf32>
    %reduce_sum3A_81 = arith.constant dense<0.000000e+00> : vector<16xf32>
    %reduce_sum3A_82 = vector.multi_reduction <add>, %div3A_12, %reduce_sum3A_81 [0] : vector<2048x16xf32> to vector<16xf32>
    %broadcast_in_dim3A_83 = vector.shape_cast %reduce_sum3A_82 : vector<16xf32> to vector<1x16xf32>
    %swap3A_84 = arith.constant 0 : index
    %swap3A_85 = arith.constant 0 : index
    %swap3A_86 = arith.constant 0 : index
    %swap3A_87 = vector.load %arg5[%swap3A_84, %swap3A_85, %swap3A_86] : memref<1x1x16xf32, #tpu.memory_space<vmem>>, vector<1x1x16xf32>
    %swap3A_88 = vector.shape_cast %swap3A_87 : vector<1x1x16xf32> to vector<1x16xf32>
    %swap3A_89 = vector.shape_cast %broadcast_in_dim3A_80 : vector<1x16xf32> to vector<1x1x16xf32>
    tpu.vector_store %arg5[%swap3A_84, %swap3A_85, %swap3A_86], %swap3A_89 {strides = array<i32>} : memref<1x1x16xf32, #tpu.memory_space<vmem>>, vector<1x1x16xf32>,
    %mul3A_90 = arith.mulf %broadcast_in_dim3A_80, %broadcast_in_dim3A_83 : vector<1x16xf32>
    %reduce_sum3A_91 = vector.shape_cast %mul3A_90 : vector<1x16xf32> to vector<1x1x16xf32>
    %reduce_sum3A_92 = arith.constant dense<0.000000e+00> : vector<1xf32>
    %reduce_sum3A_93 = vector.multi_reduction <add>, %reduce_sum3A_91, %reduce_sum3A_92 [1, 2] : vector<1x1x16xf32> to vector<1xf32>
    %reduce_sum3A_94 = vector.shape_cast %reduce_sum3A_93 : vector<1xf32> to vector<1x1x1xf32>
    %reduce_sum3A_95 = vector.extract %reduce_sum3A_94[0, 0, 0] : f32 from vector<1x1x1xf32>
    %mul3A_96 = arith.constant 9.53674316E-7 : f32
    %mul3A_97 = arith.mulf %reduce_sum3A_95, %mul3A_96 : f32
    %swap3A_98 = arith.constant 0 : index
    %swap3A_99 = arith.constant 0 : index
    %swap3A_100 = arith.constant 0 : index
    %swap3A_101 = memref.load %arg6[%swap3A_98, %swap3A_99, %swap3A_100] : memref<1x1x1xf32, #tpu.memory_space<smem>>
    memref.store %mul3A_97, %arg6[%swap3A_98, %swap3A_99, %swap3A_100] : memref<1x1x1xf32, #tpu.memory_space<smem>>
    return
  }
  func.func @transform_0(%arg0: i32) -> (i32, i32, i32) {
    %c0_i32 = arith.constant 0 : i32
    %c0_i32_0 = arith.constant 0 : i32
    %c0_i32_1 = arith.constant 0 : i32
    return %arg0, %c0_i32, %c0_i32_0 : i32, i32, i32
  }
  func.func @transform_1(%arg0: i32) -> (i32, i32) {
    %c0_i32 = arith.constant 0 : i32
    %c0_i32_0 = arith.constant 0 : i32
    %c0_i32_1 = arith.constant 0 : i32
    return %c0_i32, %c0_i32_0 : i32, i32
  }
  func.func @transform_2(%arg0: i32) -> (i32, i32) {
    %c0_i32 = arith.constant 0 : i32
    %c0_i32_0 = arith.constant 0 : i32
    %c0_i32_1 = arith.constant 0 : i32
    return %c0_i32, %c0_i32_0 : i32, i32
  }
  func.func @transform_3(%arg0: i32) -> (i32, i32, i32, i32) {
    %c0_i32 = arith.constant 0 : i32
    %c0_i32_0 = arith.constant 0 : i32
    %c0_i32_1 = arith.constant 0 : i32
    %c0_i32_2 = arith.constant 0 : i32
    return %arg0, %c0_i32, %c0_i32_0, %c0_i32_1 : i32, i32, i32, i32
  }
  func.func @transform_4(%arg0: i32) -> (i32, i32, i32) {
    %c0_i32 = arith.constant 0 : i32
    %c0_i32_0 = arith.constant 0 : i32
    %c0_i32_1 = arith.constant 0 : i32
    return %arg0, %c0_i32, %c0_i32_0 : i32, i32, i32
  }
  func.func @transform_5(%arg0: i32) -> (i32, i32, i32) {
    %c0_i32 = arith.constant 0 : i32
    %c0_i32_0 = arith.constant 0 : i32
    %c0_i32_1 = arith.constant 0 : i32
    return %arg0, %c0_i32, %c0_i32_0 : i32, i32, i32
  }
}

module attributes {stable_mosaic.version = 14 : i64} {
  func.func @_materialize_kernel(%arg0: i32, %arg1: i32, %arg2: memref<1x1x512x8xf32, #tpu.memory_space<vmem>>, %arg3: memref<1x1x16xf32, #tpu.memory_space<vmem>>, %arg4: memref<1x512x2560xf32, #tpu.memory_space<vmem>>) attributes {dimension_semantics = [#tpu.dimension_semantics<parallel>, #tpu.dimension_semantics<parallel>], iteration_bounds = array<i64: 4, 4>, scalar_prefetch = 0 : i64, scratch_operands = 0 : i64, tpu.core_type = #tpu.core_type<tc>, window_params = [{transform_indices = @transform_0, window_bounds = array<i64: 1, 1, 512, 8>}, {transform_indices = @transform_1, window_bounds = array<i64: 1, 1, 16>}, {transform_indices = @transform_2, window_bounds = array<i64: 1, 512, 2560>}]} {
    %get3A = arith.constant 0 : index
    %get3A_0 = arith.constant 0 : index
    %get3A_1 = arith.constant 0 : index
    %get3A_2 = arith.constant 0 : index
    %get3A_3 = vector.load %arg2[%get3A, %get3A_0, %get3A_1, %get3A_2] : memref<1x1x512x8xf32, #tpu.memory_space<vmem>>, vector<1x1x512x8xf32>
    %get3A_4 = vector.shape_cast %get3A_3 : vector<1x1x512x8xf32> to vector<512x8xf32>
    %slice3A = vector.extract_strided_slice %get3A_4 {offsets = [0, 0], sizes = [512, 1], strides = [1, 1]} : vector<512x8xf32> to vector<512x1xf32>
    %slice3A_5 = vector.extract_strided_slice %get3A_4 {offsets = [0, 1], sizes = [512, 1], strides = [1, 1]} : vector<512x8xf32> to vector<512x1xf32>
    %slice3A_6 = vector.extract_strided_slice %get3A_4 {offsets = [0, 2], sizes = [512, 1], strides = [1, 1]} : vector<512x8xf32> to vector<512x1xf32>
    %slice3A_7 = vector.extract_strided_slice %get3A_4 {offsets = [0, 3], sizes = [512, 1], strides = [1, 1]} : vector<512x8xf32> to vector<512x1xf32>
    %slice3A_8 = vector.extract_strided_slice %get3A_4 {offsets = [0, 4], sizes = [512, 1], strides = [1, 1]} : vector<512x8xf32> to vector<512x1xf32>
    %slice3A_9 = vector.extract_strided_slice %get3A_4 {offsets = [0, 5], sizes = [512, 1], strides = [1, 1]} : vector<512x8xf32> to vector<512x1xf32>
    %get3A_10 = arith.constant 0 : index
    %get3A_11 = arith.constant 0 : index
    %get3A_12 = arith.constant 0 : index
    %get3A_13 = vector.load %arg3[%get3A_10, %get3A_11, %get3A_12] : memref<1x1x16xf32, #tpu.memory_space<vmem>>, vector<1x1x16xf32>
    %get3A_14 = vector.shape_cast %get3A_13 : vector<1x1x16xf32> to vector<1x16xf32>
    %min3A = arith.constant 1.600000e+02 : f32
    %min3A_15 = vector.broadcast %min3A : f32 to vector<1x16xf32>
    %min3A_16 = arith.minimumf %get3A_14, %min3A_15 : vector<1x16xf32>
    %iota3A = tpu.iota {dimensions = array<i32: 1>} : vector<512x16xi32>
    %convert_element_type3A = arith.sitofp %iota3A : vector<512x16xi32> to vector<512x16xf32>
    %eq3A = vector.broadcast %slice3A_7 : vector<512x1xf32> to vector<512x16xf32>
    %eq3A_17 = arith.cmpf oeq, %convert_element_type3A, %eq3A : vector<512x16xf32>
    %convert_element_type3A_18 = arith.extui %eq3A_17 : vector<512x16xi1> to vector<512x16xi32>
    %convert_element_type3A_19 = arith.sitofp %convert_element_type3A_18 : vector<512x16xi32> to vector<512x16xf32>
    %mul3A = vector.broadcast %min3A_16 : vector<1x16xf32> to vector<512x16xf32>
    %mul3A_20 = arith.mulf %convert_element_type3A_19, %mul3A : vector<512x16xf32>
    %reduce_sum3A = arith.constant dense<0.000000e+00> : vector<512xf32>
    %reduce_sum3A_21 = vector.multi_reduction <add>, %mul3A_20, %reduce_sum3A [1] : vector<512x16xf32> to vector<512xf32>
    %broadcast_in_dim3A = vector.shape_cast %reduce_sum3A_21 : vector<512xf32> to vector<512x1xf32>
    %add3A = arith.addf %slice3A_8, %broadcast_in_dim3A : vector<512x1xf32>
    %lt3A = arith.constant 1.600000e+02 : f32
    %lt3A_22 = vector.broadcast %lt3A : f32 to vector<512x1xf32>
    %lt3A_23 = arith.cmpf olt, %add3A, %lt3A_22 : vector<512x1xf32>
    %convert_element_type3A_24 = arith.extui %lt3A_23 : vector<512x1xi1> to vector<512x1xi32>
    %convert_element_type3A_25 = arith.sitofp %convert_element_type3A_24 : vector<512x1xi32> to vector<512x1xf32>
    %mul3A_26 = arith.mulf %slice3A_9, %convert_element_type3A_25 : vector<512x1xf32>
    %mul3A_27 = arith.constant 1.600000e+02 : f32
    %mul3A_28 = vector.broadcast %mul3A_27 : f32 to vector<512x1xf32>
    %mul3A_29 = arith.mulf %slice3A, %mul3A_28 : vector<512x1xf32>
    %add3A_30 = arith.addf %mul3A_29, %slice3A_5 : vector<512x1xf32>
    %mul3A_31 = arith.constant 1.600000e+02 : f32
    %mul3A_32 = vector.broadcast %mul3A_31 : f32 to vector<512x1xf32>
    %mul3A_33 = arith.mulf %slice3A_7, %mul3A_32 : vector<512x1xf32>
    %add3A_34 = arith.addf %mul3A_33, %add3A : vector<512x1xf32>
    %iota3A_35 = tpu.iota {dimensions = array<i32: 1>} : vector<512x2560xi32>
    %convert_element_type3A_36 = arith.sitofp %iota3A_35 : vector<512x2560xi32> to vector<512x2560xf32>
    %eq3A_37 = vector.broadcast %add3A_30 : vector<512x1xf32> to vector<512x2560xf32>
    %eq3A_38 = arith.cmpf oeq, %convert_element_type3A_36, %eq3A_37 : vector<512x2560xf32>
    %jit3A = arith.constant 0.000000e+00 : f32
    %broadcast_in_dim3A_39 = vector.shape_cast %slice3A_6 : vector<512x1xf32> to vector<512x1xf32>
    %broadcast_in_dim3A_40 = vector.broadcast %broadcast_in_dim3A_39 : vector<512x1xf32> to vector<512x2560xf32>
    %broadcast_in_dim3A_41 = vector.broadcast %jit3A : f32 to vector<512x2560xf32>
    %select_n3A = arith.select %eq3A_38, %broadcast_in_dim3A_40, %broadcast_in_dim3A_41 : vector<512x2560xi1>, vector<512x2560xf32>
    %eq3A_42 = vector.broadcast %add3A_34 : vector<512x1xf32> to vector<512x2560xf32>
    %eq3A_43 = arith.cmpf oeq, %convert_element_type3A_36, %eq3A_42 : vector<512x2560xf32>
    %jit3A_44 = arith.constant 0.000000e+00 : f32
    %broadcast_in_dim3A_45 = vector.shape_cast %mul3A_26 : vector<512x1xf32> to vector<512x1xf32>
    %broadcast_in_dim3A_46 = vector.broadcast %broadcast_in_dim3A_45 : vector<512x1xf32> to vector<512x2560xf32>
    %broadcast_in_dim3A_47 = vector.broadcast %jit3A_44 : f32 to vector<512x2560xf32>
    %select_n3A_48 = arith.select %eq3A_43, %broadcast_in_dim3A_46, %broadcast_in_dim3A_47 : vector<512x2560xi1>, vector<512x2560xf32>
    %add3A_49 = arith.addf %select_n3A, %select_n3A_48 : vector<512x2560xf32>
    %swap3A = arith.constant 0 : index
    %swap3A_50 = arith.constant 0 : index
    %swap3A_51 = arith.constant 0 : index
    %swap3A_52 = vector.load %arg4[%swap3A, %swap3A_50, %swap3A_51] : memref<1x512x2560xf32, #tpu.memory_space<vmem>>, vector<1x512x2560xf32>
    %swap3A_53 = vector.shape_cast %swap3A_52 : vector<1x512x2560xf32> to vector<512x2560xf32>
    %swap3A_54 = vector.shape_cast %add3A_49 : vector<512x2560xf32> to vector<1x512x2560xf32>
    tpu.vector_store %arg4[%swap3A, %swap3A_50, %swap3A_51], %swap3A_54 {strides = array<i32>} : memref<1x512x2560xf32, #tpu.memory_space<vmem>>, vector<1x512x2560xf32>,
    return
  }
  func.func @transform_0(%arg0: i32, %arg1: i32) -> (i32, i32, i32, i32) {
    %c0_i32 = arith.constant 0 : i32
    %c0_i32_0 = arith.constant 0 : i32
    %c0_i32_1 = arith.constant 0 : i32
    return %arg0, %c0_i32, %arg1, %c0_i32_0 : i32, i32, i32, i32
  }
  func.func @transform_1(%arg0: i32, %arg1: i32) -> (i32, i32, i32) {
    %c0_i32 = arith.constant 0 : i32
    %c0_i32_0 = arith.constant 0 : i32
    %c0_i32_1 = arith.constant 0 : i32
    return %arg0, %c0_i32, %c0_i32_0 : i32, i32, i32
  }
  func.func @transform_2(%arg0: i32, %arg1: i32) -> (i32, i32, i32) {
    %c0_i32 = arith.constant 0 : i32
    %c0_i32_0 = arith.constant 0 : i32
    return %arg0, %arg1, %c0_i32 : i32, i32, i32
  }
}

</mosaic_0001>

<sc_bundles>
// kernel: sparse-core-data-format-call.cloned.1.call-start
scs
called_computation_lowered:
.L_overlay_start_0:
0x0: {  	s2 =	sld [smem:$0x3FD9]  }
0x1: {  	s3 =	sld [smem:$0x3FFE];
	_ =	sdelay $0x1  }
0x2: {  	s1 =	srdreg.scid  }
0x3: {  	s0 =	sand.u32 $0x1, s1  }
0x4: {  	s15 =	sshll.u32 s0, $0xA;
	s2 =	sadd.s32 s3, s2  }
0x5: {  	s2 =	sadd.s32 s2, s15  }
0x6: {  	[smem:$0x3FC6] =	sst s2  }
0x7: {  	_ = 	snop  }
0x8: {  	s2 =	sld [smem:$0x3FD0];
	_ =	sdelay $0x2  }
0x9: {  	s16 =	simm.s32 $0xA;
	s4 =	simm.s32 $0x10  }
0xa: {  	[smem:s4], [sflag:s16] =	dma.local [hbm:s2], $0x1  }
0xb: {  	_ =	swait.eq [sflag:s16], $0x1  }
0xc: {  	[sflag:s16] =	ssyncset.done $0x0  }
0xd: {  	[sflag:s16] =	ssyncadd.s32 $0xFFFFFFFF  }
0xe: {  	s17 =	sld [smem:$0x10];
	(tm) =	ssettm $0x1  }
0xf: {  	s18 =	sld [smem:$0x3FFB];
	_ =	sdelay $0x3  }
0x10: {  	_ =	strace s18  }
0x11: {  	s3 =	sld [smem:$0x3FFC];
	_ =	sdelay $0x3  }
0x12: {  	_ =	strace s3  }
0x13: {  	s3 =	sld [smem:$0x3FFD];
	_ =	sdelay $0x3  }
0x14: {  	_ =	strace s3  }
0x15: {  	_ =	strace $0x8FFFFFFF  }
0x16: {  	s19 =	sld [smem:$0x3FDB];
	_ =	sdelay $0x1  }
0x17: {  	s20 =	simm.s32 $_scs_section_size  }
0x18: {  	s5 =	simm.s32 $_size__tile_overlayer_lowered;
	s6 =	simm.s32 $_tile_overlayer_lowered  }
0x19: {  	s23 =	simm.s32 $0x1BFF;
	s22 =	sshll.u32 s6, $0x1;
	s3 =	sadd.s32 s20, s19  }
0x1a: {  	s7 =	simm.s32 $0x0;
	s21 =	sshll.u32 s5, $0x1;
	s5 =	sadd.s32 s22, s3  }
0x1b: {  	[timem:s7], [sflag:s23] =	dma.local [hbm:s5], s21  }
0x1c: {  	_ =	swait.ge [sflag:s23], s21  }
0x1d: {  	s4 =	ssub.s32 $0x0, s21;
	[sflag:s23] =	ssyncset.done $0x0  }
0x1e: {  	[sflag:s23] =	ssyncadd.s32 s4;
	_ =	sdelay $0x1  }
0x1f: {  	s24 =	simm.s32 $0x1B8B  }
0x20: {  	_ =	swait.ge [sflag:s24], $0x1  }
0x21: {  	[sflag:s24] =	ssyncset.done $0x0  }
0x22: {  	s26 =	simm.s32 $0x1B8E;
	s25 =	sld [smem:$0x3FFE];
	[sflag:s24] =	ssyncadd.s32 $0xFFFFFFFF  }
0x23: {  	s27 =	simm.s32 $execute0_lowered;
	[smem:$0x3FD2] =	sst s26  }
0x24: {  	s5 =	sshll.u32 s27, $0x1;
	_ =	strace $0x80000046;
	[dreg:$0x1] =	wrdreg $0xFFFFFFFF  }
0x25: {  	s28 =	simm.s32 $_size_execute0_lowered;
	s3 =	sadd.s32 s3, s5;
	[dreg:$0x0] =	wrdreg $0x0  }
0x26: {  	s5 =	sshll.u32 s28, $0x1;
	[dreg:$0x2] =	wrdreg s3  }
0x27: {  	[dreg:$0x3] =	wrdreg s5  }
0x28: {  	[dreg:$0x4] =	wrdreg $0xC0  }
0x29: {  	_ =	task [dreg:s7], $0x5FFFF  }
0x2a: {  	[dreg:$0x1] =	wrdreg $0xFFFFFFFF  }
0x2b: {  	[dreg:$0x0] =	wrdreg $0x60  }
0x2c: {  	[dreg:$0x2] =	wrdreg s25  }
0x2d: {  	[dreg:$0x3] =	wrdreg s17  }
0x2e: {  	[dreg:$0x4] =	wrdreg $0x9  }
0x2f: {  	_ =	task.clear_ibuf [dreg:s7], $0x5FFFF;
	_ =	strace $0x90000046  }
0x30: {  	s29 =	simm.s32 $0x9;
	_ =	strace $0x80000048  }
0x31: {  	_ =	swait.ge [sflag:s29], $0x1  }
0x32: {  	[sflag:s29] =	ssyncadd.s32 $0xFFFFFFFF  }
0x33: {  	_ =	strace $0x90000048  }
0x34: {  	_ =	sfence  }
0x35: {  	s30 =	sld [smem:$0x0];
	_ =	sdelay $0x2  }
0x36: {  	s31 =	sshll.u32 s1, $0xD;
	s1 =	sshrl.u32 s1, $0x2  }
0x37: {  	s3 =	sand.u32 $0x4000, s31;
	s1 =	sadd.s32 s1, s30  }
0x38: {  	s0 =	sor.u32 s3, s0;
	s1 =	sshll.u32 s1, $0x11  }
0x39: {  	s0 =	sor.u32 s1, s0  }
0x3a: {  	s0 =	sadd.s32 $0x8F2B, s0  }
0x3b: {  	[sflag:s0] =	ssyncadd.remote.s32 $0x1  }
0x3c: {  	_ =	sfence.sel $0xFFFF  }
0x3d: {  	[dreg:$0x0] =	wrdreg $0xFFFFFFFF;
	(pc) =	sbr.abs _section_cstart, $3  }
0x3e: {  	[dreg:$0x1] =	wrdreg $0xFFFFFFFF  }
0x3f: {  	_ =	task.clear_ibuf [dreg:s7], $0x2FFFF;
	_ =	strace $0x9FFFFFFF  }
0x40: {  	(tm) =	ssettm $0x7FFFFFFF  }
0x41: {  	_ =	shalt  }
tec
execute0_lowered:
.L_overlay_start_1:
0x0: {  	(tag) =	ssettag $0x1  }
0x1: {  	s0 =	stileid.u32;
	s1 =	srdreg.scid  }
0x2: {  	s5 =	rddreg [dreg:$0x0];
	s2 =	sshll.u32 s0, $0x5;
	s1 =	sshll.u32 s1, $0x9  }
0x3: {  	s3 =	rddreg [dreg:$0x1];
	s6 =	simm.s32 $0x1;
	s1 =	sor.u32 s2, s1  }
0x4: {  	s8 =	simm.s32 $0x2;
	s15 =	simm.s32 $0x0;
	s2 =	sand.u32 $0x380, s1  }
0x5: {  	s9 =	simm.s32 $0x4000;
	s14 =	simm.s32 $0x0;
	s4 =	ssub.s32 $0x800, s2  }
0x6: {  	s16 =	simm.s32 $0x0;
	s10 =	simm.s32 $0x0;
	s31 =	sand.u32 $0x380, s4  }
0x7: {  	s13 =	simm.s32 $0x0;
	s7 =	sand.u32 $0x3, s0;
	p0 =	sne.s32 s31, $0x0  }
.Ltmp0:
0x8: {  	s4 =	sshrl.u32 s4, $0xA;
	s6 =	simm.s32 @!p0 $0x0;
	(pc) =	sbr.rel .LBB1_1-.Ltmp0, $4  }
0x9: {  	s1 =	rddreg [dreg:$0x2];
	_ =	strace $0x80000047;
	s6 =	sadd.s32 s6, s4  }
0xa: {  	s4 =	sadd.s32 $0x280800, s5;
	s5 =	simm.s32 $0x1;
	s6 =	smul.u32 $0x14, s6  }
0xb: {  	s12 =	smov.u32 s7;
	s11 =	smov.u32 s2;
	[sflag:s5] =	ssyncpa.u1 $0x0  }
0xc: {  	p0 =	por $0x0, $0x0;
	[sflag:s8] =	ssyncpa.u1 $0x0;
	s8 =	sor.u32 $0x1, s6  }
.LBB1_4:
0xd: {  	v5 =	vld [tilespmem:s20+$0xFFFFFFD0];
	[tilespmem:s19+$0x2040 ss:$0x81] =	vst.msk $0xffff, v4  }
0xe: {  	s22 =	sshll.u32 s15, $0xB;
	s23 =	sshll.u32 s14, $0x3;
	v58 =	vld [tilespmem:s20+$0xFFFFFFE0];
	[tilespmem:s19+$0x2850 ss:$0x81] =	vst.msk $0xffff, v3  }
0xf: {  	s21 =	sshra.s32 s21, $0x2;
	v59 =	vld [tilespmem:s20+$0xFFFFFFF0];
	[tilespmem:s19+$0x3060 ss:$0x81] =	vst.msk $0xffff, v2;
	s22 =	sand.u32 $0xFFFFC000, s22;
	s24 =	sand.u32 $0xFFFFFC00, s23  }
0x10: {  	v60 =	vld [tilespmem:s20+$0x0];
	[tilespmem:s19+$0x0 ss:$0x81] =	vst.msk $0xffff, v0;
	s18 =	sadd.s32 s21, s18;
	s22 =	sadd.s32 s24, s22  }
0x11: {  	v61 =	vld [tilespmem:s20+$0x10];
	[tilespmem:s18+$0x3870 ss:$0x81] =	vst.msk $0xffff, v1;
	s26 =	sshrl.u32 s22, $0xB  }
0x12: {  	v62 =	vld [tilespmem:s20+$0x20];
	s28 =	sand.u32 $0x78, s14;
	s27 =	smulhi.u32 $0x19999A, s26;
	[tilespmem:s18+$0x810 ss:$0x81] =	vst.msk $0xffff, v5  }
0x13: {  	v63 =	vld [tilespmem:s20+$0xFFFFFFC0];
	s29 =	sshll.u32 s15, $0x7;
	s16 =	smul.u32 $0xA0000, s16;
	s30 =	sand.u32 $0x400, s23;
	[tilespmem:s18+$0x1020 ss:$0x81] =	vst.msk $0xffff, v58  }
0x14: {  	s15 =	sand.u32 $0x380, s29;
	s20 =	sor.u32 s28, s30;
	[tilespmem:s18+$0x1830 ss:$0x81] =	vst.msk $0xffff, v59;
	s21 =	smul.u32 $0xA00, s27  }
0x15: {  	s31 =	sand.u32 $0x7, s14;
	s15 =	sor.u32 s15, s20;
	[tilespmem:s18+$0x2040 ss:$0x81] =	vst.msk $0xffff, v60  }
0x16: {  	s16 =	sadd.s32 s3, s16;
	s15 =	sshrl.u32 s15, $0x3;
	[tilespmem:s18+$0x2850 ss:$0x81] =	vst.msk $0xffff, v61;
	s19 =	ssub.s32 s26, s21  }
0x17: {  	s14 =	sshll.u32 s31, $0x12;
	[tilespmem:s18+$0x3060 ss:$0x81] =	vst.msk $0xffff, v62;
	s15 =	sadd.s32 s15, s16;
	s19 =	sshll.u32 s19, $0x8  }
0x18: {  	s14 =	sor.u32 $0x400, s14;
	[tilespmem:s18+$0x0 ss:$0x81] =	vst.msk $0xffff, v63;
	s15 =	sadd.s32 s19, s15  }
0x19: {  	[hbm4b:s15+s14] =	stream.strided.scatter [tilespmem:s17], [sflag:$0x2], $0x4000, s9, s14, $0x20;
	[tilespmem:$0x10100] =	vst v63  }
.LBB1_5:
0x1a: {  	s17 =	sadd.s32 $0x80, s10  }
0x1b: {  	s14 =	sadd.s32 $0x400, s11;
	s18 =	smov.u32 s11;
	p2 =	sgt.s32 s17, $0x9FF  }
0x1c: {  	s18 =	smov.u32 @p2 s14  }
0x1d: {  	s20 =	smov.u32 s12;
	s14 =	sadd.s32 $0x4, s12;
	p3 =	sgt.s32 s18, $0x7FF  }
0x1e: {  	s20 =	smov.u32 @p3 s14  }
0x1f: {  	s17 =	simm.s32 @p2 $0x0;
	p2 =	sgt.s32 s20, $0x3  }
0x20: {  	p1 =	slt.u32 s13, $0x2;
	s20 =	smov.u32 @p2 s7;
	p2 =	sne.s32 s13, s8  }
.Ltmp1:
0x21: {  	s19 =	simm.s32 @!p1 $0x2;
	(pc) =	sbr.rel @!p2 .LBB1_6-.Ltmp1, $4  }
0x22: {  	s15 =	smov.u32 s10;
	s16 =	smov.u32 s12;
	_ =	swait.ge @!p1 [sflag:s19], $0x4000  }
0x23: {  	p0 =	por !p0, !p0;
	[sflag:s19] =	ssyncset.done @!p1 $0x0;
	s10 =	smov.u32 s17  }
0x24: {  	s18 =	smov.u32 @p3 s2;
	s14 =	smov.u32 s11;
	[sflag:s19] =	ssyncadd.s32 @!p1 $0xFFFFC000  }
0x25: {  	s11 =	smov.u32 s18;
	s13 =	sadd.s32 $0x1, s13;
	s12 =	smov.u32 s20  }
.LBB1_1:
0x26: {  	p1 =	sge.u32 s13, s6  }
0x27: {  	s17 =	sshrl.u32 @!p1 s11, $0x3  }
0x28: {  	s18 =	sshll.u32 @!p1 s10, $0x3;
	s17 =	smul.u32 @!p1 $0x5000, s17  }
0x29: {  	s19 =	sshll.u32 @!p1 s11, $0x7;
	s18 =	sand.u32 @!p1 $0xFFFFFC00, s18  }
0x2a: {  	s17 =	sadd.s32 @!p1 s17, s18;
	s18 =	sand.u32 @!p1 $0x380, s19  }
0x2b: {  	s19 =	sand.u32 @!p1 $0x7F, s10;
	s17 =	sor.u32 @!p1 s18, s17  }
0x2c: {  	s18 =	sor.u32 @!p1 s19, s17  }
0x2d: {  	s19 =	smulhi.u32 @!p1 $0xCCCCCCCD, s18  }
0x2e: {  	s17 =	smulhi.u32 @!p1 $0xCCCCCCCD, s17  }
0x2f: {  	s19 =	sshrl.u32 @!p1 s19, $0xB  }
0x30: {  	s31 =	sadd.s32 $0xFFFFFFFF, s13;
	s17 =	sshrl.u32 @!p1 s17, $0xB;
	s19 =	smul.u32 @!p1 $0xA00, s19  }
0x31: {  	s20 =	sxor.u32 @!p1 $0xFFFFFFFF, s13;
	s21 =	smul.u32 @!p1 $0xA0000, s12;
	s17 =	sand.u32 @!p1 $0x7FF, s17  }
0x32: {  	s20 =	sshll.u32 @!p1 s20, $0xE;
	s17 =	smul.u32 @!p1 $0x140, s17;
	s18 =	ssub.s32 @!p1 s18, s19  }
0x33: {  	s19 =	sand.u32 @!p1 $0x4000, s20;
	s20 =	sadd.s32 @!p1 s4, s21;
	s21 =	sand.u32 @!p1 $0x7, s18  }
0x34: {  	s18 =	sshrl.u32 @!p1 s18, $0x3;
	s17 =	sadd.s32 @!p1 s17, s20;
	s20 =	sshll.u32 @!p1 s21, $0x12  }
0x35: {  	s17 =	sadd.s32 @!p1 s18, s17;
	s18 =	sor.u32 @!p1 $0x400, s20;
	s20 =	simm.s32 @!p1 $0x5000  }
0x36: {  	[tilespmem:s19], [sflag:$0x1] =	stream.strided.gather @!p1 [hbm4b:s17+s18], $0x4000, s20, s18, $0x38;
	[tilespmem:$0x10100] =	vst v63  }
0x37: {  	p1 =	sge.u32 s31, s6  }
.Ltmp2:
0x38: {  	_ = 	snop;
	(pc) =	sbr.rel @p1 .LBB1_5-.Ltmp2, $1  }
0x39: {  	_ =	sdelay $0x3  }
0x3a: {  	s17 =	simm.s32 $0x1  }
0x3b: {  	_ =	swait.ge [sflag:s5], $0x4000;
	s17 =	simm.s32 @!p0 $0x0  }
0x3c: {  	[sflag:s5] =	ssyncset.done $0x0;
	s18 =	sshll.u32 s17, $0xE  }
0x3d: {  	[sflag:s5] =	ssyncadd.s32 $0xFFFFC000;
	s20 =	sor.u32 $0x40, s18  }
0x3e: {  	s17 =	smul.u32 $0x10200, s17;
	v0 =	vld [tilespmem:s20+$0x30]  }
0x3f: {  	v1 =	vld [tilespmem:s20+$0xFFFFFFD0]  }
0x40: {  	s17 =	sshrl.u32 s17, $0x2;
	v5 =	vld [tilespmem:s20+$0xFFFFFFE0]  }
0x41: {  	v6 =	vld [tilespmem:s20+$0xFFFFFFF0];
	s18 =	sor.u32 $0x8000, s17  }
0x42: {  	s31 =	sand.u32 $0x1, s13;
	v4 =	vld [tilespmem:s20+$0x0];
	s19 =	sadd.s32 $0x0, s18  }
0x43: {  	v3 =	vld [tilespmem:s20+$0x10];
	s17 =	smul.u32 $0x10200, s31;
	[tilespmem:s19+$0x3870 ss:$0x81] =	vst.msk $0xffff, v0  }
0x44: {  	v2 =	vld [tilespmem:s20+$0x20];
	[tilespmem:s19+$0x810 ss:$0x81] =	vst.msk $0xffff, v1  }
0x45: {  	s17 =	sshrl.u32 s17, $0x2;
	v0 =	vld [tilespmem:s20+$0xFFFFFFC0];
	[tilespmem:s19+$0x1020 ss:$0x81] =	vst.msk $0xffff, v5;
	s20 =	sadd.s32 $0x80, s20  }
0x46: {  	s21 =	simm.s32 $0x4;
	s22 =	simm.s32 $0x8;
	s17 =	sor.u32 $0x8000, s17;
	[tilespmem:s19+$0x1830 ss:$0x81] =	vst.msk $0xffff, v6;
	v1 =	vld [tilespmem:s20+$0x30]  }
.LBB1_3:
0x47: {  	p1 =	sne.s32 s22, $0x1FC;
	v5 =	vld [tilespmem:s20+$0xFFFFFFD0];
	[tilespmem:s19+$0x2040 ss:$0x81] =	vst.msk $0xffff, v4  }
0x48: {  	v6 =	vld [tilespmem:s20+$0xFFFFFFE0];
	[tilespmem:s19+$0x2850 ss:$0x81] =	vst.msk $0xffff, v3  }
0x49: {  	s23 =	sshra.s32 s21, $0x2;
	s21 =	smov.u32 s22;
	v7 =	vld [tilespmem:s20+$0xFFFFFFF0];
	[tilespmem:s19+$0x3060 ss:$0x81] =	vst.msk $0xffff, v2  }
.Ltmp3:
0x4a: {  	v4 =	vld [tilespmem:s20+$0x0];
	[tilespmem:s19+$0x0 ss:$0x81] =	vst.msk $0xffff, v0;
	s19 =	sadd.s32 s23, s18;
	(pc) =	sbr.rel @p1 .LBB1_3-.Ltmp3, $4  }
0x4b: {  	v3 =	vld [tilespmem:s20+$0x10];
	[tilespmem:s19+$0x3870 ss:$0x81] =	vst.msk $0xffff, v1  }
0x4c: {  	[tilespmem:s19+$0x810 ss:$0x81] =	vst.msk $0xffff, v5;
	v2 =	vld [tilespmem:s20+$0x20]  }
0x4d: {  	v0 =	vld [tilespmem:s20+$0xFFFFFFC0];
	[tilespmem:s19+$0x1020 ss:$0x81] =	vst.msk $0xffff, v6;
	s20 =	sadd.s32 $0x80, s20  }
0x4e: {  	s22 =	sadd.s32 $0x4, s22;
	v1 =	vld [tilespmem:s20+$0x30];
	[tilespmem:s19+$0x1830 ss:$0x81] =	vst.msk $0xffff, v7  }
.Ltmp4:
0x4f: {  	_ = 	snop;
	(pc) =	sbr.rel .LBB1_4-.Ltmp4, $1  }
0x50: {  	_ =	sdelay $0x3  }
.LBB1_6:
0x51: {  	_ =	sfence.sel $0x180000  }
0x52: {  	s2 =	simm.s32 $0x1;
	[bflag:$0x0] =	sbarrier.arrive $0xFFFF  }
0x53: {  	s31 =	simm.s32 $0x2;
	[sflag:s2] =	ssyncpa.u1 $0x1  }
0x54: {  	[sflag:s31] =	ssyncpa.u1 $0x1  }
0x55: {  	p0 =	sne.s32 s0, $0x0;
	_ =	strace $0x90000047  }
0x56: {  	s0 =	sadd.s32 @!p0 $0x100000, s1;
	[bflag:$0x2] =	sbarrier.arrive $0xFFFF  }
0x57: {  	[sflag:s0] =	ssyncadd.tile.s32 @!p0 $0x1;
	_ =	shalt  }
.Lfunc_end1:
_tile_overlayer_lowered:
.L_overlay_start_2:
0x58: {  	(tag) =	ssettag $0x2  }
0x59: {  	s0 =	rddreg [dreg:$0x0];
	s2 =	stileid.u32  }
0x5a: {  	s1 =	rddreg [dreg:$0x1];
	p0 =	sne.s32 s2, $0x0  }
0x5b: {  	s3 =	rddreg [dreg:$0x2];
	[bflag:$0x3] =	sbarrier.arrive $0xFFFF;
	s2 =	simm.s32 @!p0 $0x1C01  }
0x5c: {  	[timem:s3], [sflag:s2] =	dma.local @!p0 [hbm:s0], s1  }
0x5d: {  	s0 =	simm.s32 @!p0 $0x1  }
0x5e: {  	_ =	swait.ge @!p0 [sflag:s0], s1  }
0x5f: {  	s1 =	ssub.s32 @!p0 $0x0, s1;
	[sflag:s0] =	ssyncset.done @!p0 $0x0  }
0x60: {  	[sflag:s0] =	ssyncadd.s32 @!p0 s1  }
0x61: {  	[bflag:$0x3] =	sbarrier.arrive $0xFFFF  }
0x62: {  	_ =	shalt  }

</sc_bundles>
